<compile_context>
chip_gen: v7x
topology: tpu7x:2x2x1
jax: 0.10.2.dev20260603
libtpu: 0.0.44.dev20260713+nightly
codegen_flags: <defaults>
</compile_context>

<pallas_src>
import functools

import jax
import jax.numpy as jnp
from jax import lax
from jax.experimental import pallas as pl
from jax.experimental.pallas import tpu as pltpu
from jax.experimental.pallas import tpu_sc as plsc

NEG_SLOPE = 0.2
K = 16
NR = 10240
HALF = NR // 2
NT = 16
TA = HALF // NT
_KNN_NEG = -3.0e38
_SC_PARAMS = pltpu.CompilerParams(needs_layout_passes=False, use_tc_tiling_on_sc=False)



def _knn_kernel(xr_ref, x_ref, xxr_ref, xx_ref, idx_ref):
    inner = -2.0 * jnp.dot(xr_ref[...].T, x_ref[...], preferred_element_type=jnp.float32)
    dist = -xxr_ref[...] - inner - xx_ref[...]
    BR, NP = dist.shape
    iota = lax.broadcasted_iota(jnp.int32, (BR, NP), 1)

    def body(t, dist):
        am = jnp.argmax(dist, axis=1).astype(jnp.int32)
        idx_ref[:, t] = am
        return jnp.where(iota == am[:, None], _KNN_NEG, dist)

    lax.fori_loop(0, K, body, dist, unroll=True)


def _knn(x):
    _, N = x.shape
    BR = 640
    pad = jnp.full((3, NR - N), 1.0e4, jnp.float32)
    xp = jnp.concatenate([x, pad], axis=1)
    xx = jnp.sum(xp * xp, axis=0)
    idx = pl.pallas_call(
        _knn_kernel,
        grid=(NR // BR,),
        in_specs=[
            pl.BlockSpec((3, BR), lambda i: (0, i)),
            pl.BlockSpec((3, NR), lambda i: (0, 0)),
            pl.BlockSpec((BR, 1), lambda i: (i, 0)),
            pl.BlockSpec((1, NR), lambda i: (0, 0)),
        ],
        out_specs=pl.BlockSpec((BR, K), lambda i: (i, 0)),
        out_shape=jax.ShapeDtypeStruct((NR, K), jnp.int32),
    )(xp, xp, xx.reshape(NR, 1), xx.reshape(1, NR))
    return idx



def _proj_kernel(x_ref, w_ref, asrc_ref, adst_ref, h_ref, as_ref, ad_ref, ms_ref, md_ref):
    i = pl.program_id(0)
    h = jnp.dot(x_ref[...], w_ref[...], preferred_element_type=jnp.float32)
    h_ref[...] = h
    a_s = jnp.sum(h * asrc_ref[...], axis=-1, keepdims=True)
    a_d = jnp.sum(h * adst_ref[...], axis=-1, keepdims=True)
    as_ref[...] = a_s
    ad_ref[...] = a_d

    @pl.when(i == 0)
    def _():
        ms_ref[...] = jnp.full((1, 1), -3.0e38, jnp.float32)
        md_ref[...] = jnp.full((1, 1), -3.0e38, jnp.float32)

    ms_ref[...] = jnp.maximum(ms_ref[...], jnp.max(a_s).reshape(1, 1))
    md_ref[...] = jnp.maximum(md_ref[...], jnp.max(a_d).reshape(1, 1))


def _project(x, W, att_src, att_dst):
    N, IN = x.shape
    OUT = W.shape[1]
    BN = 1024
    h, a_s, a_d, ms, md = pl.pallas_call(
        _proj_kernel,
        grid=(N // BN,),
        in_specs=[
            pl.BlockSpec((BN, IN), lambda i: (i, 0)),
            pl.BlockSpec((IN, OUT), lambda i: (0, 0)),
            pl.BlockSpec((1, OUT), lambda i: (0, 0)),
            pl.BlockSpec((1, OUT), lambda i: (0, 0)),
        ],
        out_specs=[
            pl.BlockSpec((BN, OUT), lambda i: (i, 0)),
            pl.BlockSpec((BN, 1), lambda i: (i, 0)),
            pl.BlockSpec((BN, 1), lambda i: (i, 0)),
            pl.BlockSpec((1, 1), lambda i: (0, 0)),
            pl.BlockSpec((1, 1), lambda i: (0, 0)),
        ],
        out_shape=[
            jax.ShapeDtypeStruct((N, OUT), jnp.float32),
            jax.ShapeDtypeStruct((N, 1), jnp.float32),
            jax.ShapeDtypeStruct((N, 1), jnp.float32),
            jax.ShapeDtypeStruct((1, 1), jnp.float32),
            jax.ShapeDtypeStruct((1, 1), jnp.float32),
        ],
    )(x, W, att_src.reshape(1, OUT), att_dst.reshape(1, OUT))
    return h, a_s[:, 0], a_d[:, 0], ms[0, 0], md[0, 0]



def _lrelu(z):
    return jnp.where(z > 0, z, NEG_SLOPE * z)


@jax.jit
def _sc_pq(idx, asrc, adst, mv):
    mesh = plsc.VectorSubcoreMesh(core_axis_name="c", subcore_axis_name="s")
    TB = NR // 32

    @functools.partial(
        pl.kernel,
        out_type=[
            jax.ShapeDtypeStruct((NR, K), jnp.float32),
            jax.ShapeDtypeStruct((NR, K), jnp.float32),
        ],
        mesh=mesh,
        compiler_params=_SC_PARAMS,
        scratch_types=[
            pltpu.VMEM((NR,), jnp.float32),
            pltpu.VMEM((NR,), jnp.float32),
            pltpu.VMEM((TB, 16), jnp.int32),
            pltpu.VMEM((16, 16), jnp.float32),
            pltpu.VMEM((16, 16), jnp.float32),
            pltpu.VMEM((16,), jnp.float32),
        ],
    )
    def pq_kernel(idx_hbm, asrc_hbm, adst_hbm, mv_hbm, p_hbm, q_hbm,
                  asrc_v, adst_v, idxv, ps, qs, mvv):
        c = lax.axis_index("c")
        s = lax.axis_index("s")
        base = pl.multiple_of((c * NT + s) * TB, 64)
        pltpu.sync_copy(asrc_hbm, asrc_v)
        pltpu.sync_copy(adst_hbm, adst_v)
        pltpu.sync_copy(mv_hbm, mvv)
        pltpu.sync_copy(idx_hbm.at[pl.ds(base, TB)], idxv)
        M = mvv[...]

        def body(t, _):
            n = base + t
            t16 = t % 16
            iv = idxv[t]
            nn = jnp.full((16,), n, jnp.int32)
            asg = plsc.load_gather(asrc_v, [iv])
            adg = plsc.load_gather(adst_v, [iv])
            asn = plsc.load_gather(asrc_v, [nn])
            adn = plsc.load_gather(adst_v, [nn])
            ps[t16, pl.ds(0, 16)] = jnp.exp(_lrelu(asg + adn) - M)
            qs[t16, pl.ds(0, 16)] = jnp.exp(_lrelu(asn + adg) - M)

            @pl.when(t16 == 15)
            def _():
                b = pl.multiple_of(base + t - 15, 16)
                pltpu.sync_copy(ps, p_hbm.at[pl.ds(b, 16)])
                pltpu.sync_copy(qs, q_hbm.at[pl.ds(b, 16)])

            return 0

        lax.fori_loop(0, TB, body, 0)

    return pq_kernel(idx, asrc, adst, mv)



@functools.partial(jax.jit, static_argnames=("D",))
def _sc_edge(idx, p, q, hs, bias, D):
    Dh = D // 2
    DW = Dh + 16
    NV = Dh // 16
    TN = NR // NT
    mesh = plsc.VectorSubcoreMesh(core_axis_name="c", subcore_axis_name="s")

    @functools.partial(
        pl.kernel,
        out_type=jax.ShapeDtypeStruct((2 * NR, Dh), jnp.float32),
        mesh=mesh,
        compiler_params=_SC_PARAMS,
        scratch_types=[
            pltpu.VMEM_SHARED((NR, DW), jnp.float32),
            pltpu.VMEM((16, 16), jnp.int32),
            pltpu.VMEM((16, 16), jnp.float32),
            pltpu.VMEM((16, 16), jnp.float32),
            pltpu.VMEM((64, Dh), jnp.float32),
            pltpu.VMEM((32, Dh), jnp.float32),
            pltpu.VMEM((32, DW), jnp.float32),
            pltpu.VMEM((16, DW), jnp.float32),
            pltpu.VMEM((D,), jnp.float32),
            pltpu.SemaphoreType.DMA,
            pltpu.SemaphoreType.DMA,
            pltpu.SemaphoreType.DMA,
            pltpu.SemaphoreType.DMA,
            pltpu.SemaphoreType.DMA,
        ],
    )
    def edge_kernel(idx_hbm, p_hbm, q_hbm, hs_hbm, b_hbm, out_hbm,
                    acc, idxb, pb, qb, hbuf, gbuf, stage, e1buf, bv,
                    gsem0, gsem1, ssem0, ssem1, esem):
        c = lax.axis_index("c")
        s = lax.axis_index("s")
        nb0 = pl.multiple_of(s * TN, 64)
        hoff = c * NR
        iota16 = lax.broadcasted_iota(jnp.int32, (16,), 0)
        one0 = jnp.where(iota16 == 0, 1.0, 0.0)
        zeros16 = jnp.zeros((16,), jnp.float32)
        gsems = (gsem0, gsem1)
        ssems = (ssem0, ssem1)

        pltpu.sync_copy(b_hbm, bv)
        for r in range(16):
            for v in range(DW // 16):
                stage[r, pl.ds(v * 16, 16)] = zeros16
        for z in range(TN // 16):
            pltpu.sync_copy(stage.at[pl.ds(0, 16)], acc.at[pl.ds(nb0 + z * 16, 16)])
        plsc.subcore_barrier()

        def load_chunk(base):
            b = pl.multiple_of(base, 16)
            pltpu.sync_copy(idx_hbm.at[pl.ds(b, 16)], idxb)
            pltpu.sync_copy(p_hbm.at[pl.ds(b, 16)], pb)
            pltpu.sync_copy(q_hbm.at[pl.ds(b, 16)], qb)

        def load_h(base):
            pltpu.sync_copy(hs_hbm.at[pl.ds(pl.multiple_of(hoff + base, 64), 64)], hbuf)

        load_chunk(nb0)
        load_h(nb0)
        pltpu.async_copy(hs_hbm.at[idxb[0] + hoff], gbuf.at[pl.ds(0, 16)], gsem0)

        def body(t2, _):
            for j in range(2):
                t = 2 * t2 + j
                g0 = j * 16
                t16 = t % 16
                iv = idxb[t16]
                tt = jnp.full((16,), t16, jnp.int32)

                @pl.when((t16 < 15) & (t < TN - 1))
                def _():
                    niv = idxb[t16 + 1]
                    pltpu.async_copy(hs_hbm.at[niv + hoff], gbuf.at[pl.ds((1 - j) * 16, 16)],
                                     gsems[1 - j])

                @pl.when(t >= 2)
                def _():
                    pltpu.make_async_copy(stage.at[pl.ds(g0, 16)], acc.at[iv], ssems[j]).wait()

                hv = [hbuf[t % 64, pl.ds(v * 16, 16)] for v in range(NV)]
                for k in range(16):
                    qk = plsc.load_gather(qb, [tt, jnp.full((16,), k, jnp.int32)])
                    for v in range(NV):
                        stage[g0 + k, pl.ds(v * 16, 16)] = qk * hv[v]
                    stage[g0 + k, pl.ds(Dh, 16)] = qk * one0
                pltpu.async_copy(stage.at[pl.ds(g0, 16)], acc.at[iv], ssems[j], add=True)

                pltpu.make_async_copy(hs_hbm.at[iv], gbuf.at[pl.ds(g0, 16)], gsems[j]).wait()
                accv = [zeros16 for _ in range(NV)]
                for k in range(16):
                    pk = plsc.load_gather(pb, [tt, jnp.full((16,), k, jnp.int32)])
                    for v in range(NV):
                        accv[v] = accv[v] + pk * gbuf[g0 + k, pl.ds(v * 16, 16)]

                @pl.when((t16 == 0) & (t >= 16))
                def _():
                    pltpu.make_async_copy(e1buf, acc.at[iv], esem).wait()

                for v in range(NV):
                    e1buf[t16, pl.ds(v * 16, 16)] = accv[v]
                e1buf[t16, pl.ds(Dh, 16)] = jnp.sum(pb[t16]) * one0

                @pl.when(t16 == 15)
                def _():
                    idv = (nb0 + t - 15) + iota16
                    pltpu.async_copy(e1buf, acc.at[idv], esem, add=True)

                @pl.when((t16 == 15) & (t < TN - 1))
                def _():
                    load_chunk(nb0 + t + 1)

                @pl.when(((t + 1) % 64 == 0) & (t < TN - 1))
                def _():
                    load_h(nb0 + t + 1)

                @pl.when((t16 == 15) & (t < TN - 1))
                def _():
                    niv = idxb[0]
                    pltpu.async_copy(hs_hbm.at[niv + hoff], gbuf.at[pl.ds((1 - j) * 16, 16)],
                                     gsems[1 - j])

            return 0

        lax.fori_loop(0, TN // 2, body, 0)
        dummy = jnp.zeros((16,), jnp.int32)
        pltpu.make_async_copy(stage.at[pl.ds(0, 16)], acc.at[dummy], ssem0).wait()
        pltpu.make_async_copy(stage.at[pl.ds(16, 16)], acc.at[dummy], ssem1).wait()
        pltpu.make_async_copy(e1buf, acc.at[dummy], esem).wait()
        plsc.subcore_barrier()

        bias = [bv[pl.ds(c * Dh + v * 16, 16)] for v in range(NV)]

        def body_f(f, _):
            basel = pl.multiple_of(nb0 + f * 16, 16)
            baseo = pl.multiple_of(hoff + nb0 + f * 16, 16)
            pltpu.sync_copy(acc.at[pl.ds(basel, 16)], stage.at[pl.ds(0, 16)])
            for r in range(16):
                dv = stage[r, pl.ds(Dh, 16)]
                rr = jnp.sum(one0 / (dv + 1e-16))
                for v in range(NV):
                    gbuf[r, pl.ds(v * 16, 16)] = stage[r, pl.ds(v * 16, 16)] * rr + bias[v]
            pltpu.sync_copy(gbuf.at[pl.ds(0, 16)], out_hbm.at[pl.ds(baseo, 16)])
            return 0

        lax.fori_loop(0, TN // 16, body_f, 0)

    return edge_kernel(idx, p, q, hs, bias)



def _gat_layer(x, idx, W, att_src, att_dst, bias):
    h, a_src, a_dst, ms, md = _project(x, W, att_src, att_dst)
    Z = ms + md
    M = jnp.where(Z > 0, Z, NEG_SLOPE * Z)
    mv = jnp.full((16,), M, jnp.float32)
    p, q = _sc_pq(idx, a_src, a_dst, mv)
    D = W.shape[1]
    Dh = D // 2
    hs = jnp.concatenate([h[:, :Dh], h[:, Dh:]], axis=0)
    out2 = _sc_edge(idx, p, q, hs, bias, D=D)
    return jnp.concatenate([out2[:NR], out2[NR:]], axis=1)


def kernel(coordinates, features, W1, a1_src, a1_dst, b1, W2, a2_src, a2_dst, b2, W3, a3_src, a3_dst, b3):
    B, _, N = coordinates.shape
    idx = _knn(coordinates[0])
    x = jnp.transpose(features[0], (1, 0))
    x = jnp.pad(x, ((0, NR - N), (0, 0)))
    g = _gat_layer(x, idx, W1, a1_src, a1_dst, b1)
    g = _gat_layer(g, idx, W2, a2_src, a2_dst, b2)
    g = _gat_layer(g, idx, W3, a3_src, a3_dst, b3)
    return jnp.transpose(g[:N], (1, 0)).reshape(B, -1, N)

# --- scband reference (transcript-rebuilt; emitter-appended) ---
"""Pipeline reference for scband-graph-embedder-old-45938970198275 (READ-ONLY COPY).

The authoritative reference and input builder live on the scoring server;
editing this copy changes nothing except your own understanding.
"""

import jax, jax.numpy as jnp
import numpy as np

NEG_SLOPE = 0.2
K = 16
N_NODES = 10000
IN_DIM = 128
OUT_DIM = 128
HID = IN_DIM * 2


def knn(x, k):
    # x: [B, C, N]
    inner = -2.0 * jnp.matmul(jnp.transpose(x, (0, 2, 1)), x)
    xx = jnp.sum(x ** 2, axis=1, keepdims=True)
    pairwise_distance = -xx - inner - jnp.transpose(xx, (0, 2, 1))
    idx = jax.lax.top_k(pairwise_distance, k)[1]  # [B, N, k]
    return idx


def get_graph_feature_diff(x, k, idx):
    # faithful port of get_graph_feature(..., diff_only=True)
    B, C, N = x.shape
    idx_base = jnp.arange(B).reshape(-1, 1, 1) * N
    idx_flat = (idx + idx_base).reshape(-1)
    xt = jnp.transpose(x, (0, 2, 1)).reshape(B * N, C)
    feature = xt[idx_flat].reshape(B, N, k, C)
    xc = jnp.broadcast_to(xt.reshape(B, N, 1, C), (B, N, k, C))
    return jnp.transpose(feature - xc, (0, 3, 1, 2))  # [B, C, N, k]


def gat_conv(x, src, dst, W, att_src, att_dst, bias):
    # PyG GATConv, heads=1, concat=True, negative_slope=0.2, edge_dim=None
    N = x.shape[0]
    h = x @ W
    a_src = jnp.sum(h * att_src, axis=-1)
    a_dst = jnp.sum(h * att_dst, axis=-1)
    alpha = a_src[src] + a_dst[dst]
    alpha = jnp.where(alpha > 0, alpha, NEG_SLOPE * alpha)
    amax = jax.lax.stop_gradient(jax.ops.segment_max(alpha, dst, num_segments=N))
    ex = jnp.exp(alpha - amax[dst])
    denom = jax.ops.segment_sum(ex, dst, num_segments=N)
    coef = ex / (denom[dst] + 1e-16)
    out = jax.ops.segment_sum(h[src] * coef[:, None], dst, num_segments=N)
    return out + bias


def setup_inputs(seed: int = 0) -> dict:
    key = jax.random.key(seed)
    ks = jax.random.split(key, 16)
    coordinates = jax.random.normal(ks[0], (1, 3, N_NODES), dtype=jnp.float32)
    features = jax.random.normal(ks[1], (1, IN_DIM, N_NODES), dtype=jnp.float32)
    W1 = jax.random.normal(ks[2], (IN_DIM, HID), dtype=jnp.float32) * 0.05
    a1_src = jax.random.normal(ks[3], (HID,), dtype=jnp.float32) * 0.05
    a1_dst = jax.random.normal(ks[4], (HID,), dtype=jnp.float32) * 0.05
    b1 = jnp.zeros((HID,), dtype=jnp.float32)
    W2 = jax.random.normal(ks[5], (HID, HID), dtype=jnp.float32) * 0.05
    a2_src = jax.random.normal(ks[6], (HID,), dtype=jnp.float32) * 0.05
    a2_dst = jax.random.normal(ks[7], (HID,), dtype=jnp.float32) * 0.05
    b2 = jnp.zeros((HID,), dtype=jnp.float32)
    W3 = jax.random.normal(ks[8], (HID, OUT_DIM), dtype=jnp.float32) * 0.05
    a3_src = jax.random.normal(ks[9], (OUT_DIM,), dtype=jnp.float32) * 0.05
    a3_dst = jax.random.normal(ks[10], (OUT_DIM,), dtype=jnp.float32) * 0.05
    b3 = jnp.zeros((OUT_DIM,), dtype=jnp.float32)
    return {"coordinates": coordinates, "features": features, "W1": W1, "a1_src": a1_src, "a1_dst": a1_dst, "b1": b1, "W2": W2, "a2_src": a2_src, "a2_dst": a2_dst, "b2": b2, "W3": W3, "a3_src": a3_src, "a3_dst": a3_dst, "b3": b3}


def reference(coordinates, features, W1, a1_src, a1_dst, b1, W2, a2_src, a2_dst, b2, W3, a3_src, a3_dst, b3):
    k = K
    B, _, N = coordinates.shape
    neighborhood = knn(coordinates, k)  # [B, N, k]
    self_idx = jnp.broadcast_to(jnp.arange(N, dtype=neighborhood.dtype).reshape(1, N, 1, 1), (B, N, k, 1))
    e1 = jnp.concatenate((neighborhood[..., None], self_idx), axis=-1).reshape(-1, 2)
    e2 = jnp.concatenate((self_idx, neighborhood[..., None]), axis=-1).reshape(-1, 2)
    edges = jnp.transpose(jnp.concatenate((e1, e2), axis=0), (1, 0))  # [2, 2*N*k]
    # edge_attr computed for faithfulness (ignored by GATConv since edge_dim=None)
    edge_attr = jnp.transpose(get_graph_feature_diff(coordinates, k, neighborhood).reshape(3, -1), (1, 0))
    edge_attr = jnp.concatenate((edge_attr, -edge_attr), axis=0)
    src, dst = edges[0], edges[1]
    feats = jnp.transpose(features[0], (1, 0))  # [N, IN_DIM]
    g = gat_conv(feats, src, dst, W1, a1_src, a1_dst, b1)
    g = gat_conv(g, src, dst, W2, a2_src, a2_dst, b2)
    g = gat_conv(g, src, dst, W3, a3_src, a3_dst, b3)
    return jnp.transpose(g, (1, 0)).reshape(B, -1, N)

if __name__ == "__main__":
    import jax
    _d = setup_inputs()
    print(jax.jit(kernel)(*tuple(_d.values())))

</pallas_src>

<mosaic_0001>
#map = affine_map<(d0, d1) -> (0, 0)>
#map1 = affine_map<(d0, d1) -> (0)>
module attributes {stable_mosaic.version = 14 : i64} {
  func.func @pq_kernel(%arg0: i32, %arg1: i32, %arg2: memref<10240x16xi32, #tpu.memory_space<hbm>>, %arg3: memref<10240xf32, #tpu.memory_space<hbm>>, %arg4: memref<10240xf32, #tpu.memory_space<hbm>>, %arg5: memref<16xf32, #tpu.memory_space<hbm>>, %arg6: memref<10240x16xf32, #tpu.memory_space<hbm>>, %arg7: memref<10240x16xf32, #tpu.memory_space<hbm>>, %arg8: memref<10240xf32, #tpu.memory_space<vmem>>, %arg9: memref<10240xf32, #tpu.memory_space<vmem>>, %arg10: memref<320x16xi32, #tpu.memory_space<vmem>>, %arg11: memref<16x16xf32, #tpu.memory_space<vmem>>, %arg12: memref<16x16xf32, #tpu.memory_space<vmem>>, %arg13: memref<16xf32, #tpu.memory_space<vmem>>) attributes {dimension_semantics = [#tpu.dimension_semantics<core_parallel>, #tpu.dimension_semantics<subcore_parallel>], iteration_bounds = array<i64: 2, 16>, scalar_prefetch = 0 : i64, scratch_operands = 6 : i64, tpu.core_type = #tpu.core_type<sc_vector_subcore>, window_params = [{transform_indices = #map}, {transform_indices = #map1}, {transform_indices = #map1}, {transform_indices = #map1}, {transform_indices = #map}, {transform_indices = #map}]} {
    %mul3A = arith.constant 16 : i32
    %mul3A_0 = arith.muli %arg0, %mul3A : i32
    %add3A = arith.addi %mul3A_0, %arg1 : i32
    %mul3A_1 = arith.constant 320 : i32
    %mul3A_2 = arith.muli %add3A, %mul3A_1 : i32
    %multiple_of3A = tpu.assume_multiple %mul3A_2, 64 : i32
    "tpu.region"() ({
      %run_scoped3A = tpu.sem_alloc : memref<!tpu.dma_semaphore, #tpu.memory_space<semaphore_mem>>
      tpu.enqueue_dma source(%arg3 : memref<10240xf32, #tpu.memory_space<hbm>>) target(%arg8 : memref<10240xf32, #tpu.memory_space<vmem>>) target_semaphore(%run_scoped3A : memref<!tpu.dma_semaphore, #tpu.memory_space<semaphore_mem>>)
      tpu.wait_dma2 semaphore(%run_scoped3A : memref<!tpu.dma_semaphore, #tpu.memory_space<semaphore_mem>>) src(%arg3 : memref<10240xf32, #tpu.memory_space<hbm>>) dst(%arg8 : memref<10240xf32, #tpu.memory_space<vmem>>)
      tpu.yield
    }) : () -> ()
    "tpu.region"() ({
      %run_scoped3A = tpu.sem_alloc : memref<!tpu.dma_semaphore, #tpu.memory_space<semaphore_mem>>
      tpu.enqueue_dma source(%arg4 : memref<10240xf32, #tpu.memory_space<hbm>>) target(%arg9 : memref<10240xf32, #tpu.memory_space<vmem>>) target_semaphore(%run_scoped3A : memref<!tpu.dma_semaphore, #tpu.memory_space<semaphore_mem>>)
      tpu.wait_dma2 semaphore(%run_scoped3A : memref<!tpu.dma_semaphore, #tpu.memory_space<semaphore_mem>>) src(%arg4 : memref<10240xf32, #tpu.memory_space<hbm>>) dst(%arg9 : memref<10240xf32, #tpu.memory_space<vmem>>)
      tpu.yield
    }) : () -> ()
    "tpu.region"() ({
      %run_scoped3A = tpu.sem_alloc : memref<!tpu.dma_semaphore, #tpu.memory_space<semaphore_mem>>
      tpu.enqueue_dma source(%arg5 : memref<16xf32, #tpu.memory_space<hbm>>) target(%arg13 : memref<16xf32, #tpu.memory_space<vmem>>) target_semaphore(%run_scoped3A : memref<!tpu.dma_semaphore, #tpu.memory_space<semaphore_mem>>)
      tpu.wait_dma2 semaphore(%run_scoped3A : memref<!tpu.dma_semaphore, #tpu.memory_space<semaphore_mem>>) src(%arg5 : memref<16xf32, #tpu.memory_space<hbm>>) dst(%arg13 : memref<16xf32, #tpu.memory_space<vmem>>)
      tpu.yield
    }) : () -> ()
    "tpu.region"() ({
      %run_scoped3A = tpu.sem_alloc : memref<!tpu.dma_semaphore, #tpu.memory_space<semaphore_mem>>
      %dma_start3A = arith.constant 0 : i32
      %dma_start3A_10 = tpu.memref_slice %arg2[%multiple_of3A, %dma_start3A] : memref<10240x16xi32, #tpu.memory_space<hbm>> -> memref<320x16xi32, #tpu.memory_space<hbm>>
      %dma_start3A_11 = arith.constant 0 : i32
      %dma_start3A_12 = tpu.memref_slice %arg2[%multiple_of3A, %dma_start3A_11] : memref<10240x16xi32, #tpu.memory_space<hbm>> -> memref<320x16xi32, #tpu.memory_space<hbm>>
      tpu.enqueue_dma source(%dma_start3A_12 : memref<320x16xi32, #tpu.memory_space<hbm>>) target(%arg10 : memref<320x16xi32, #tpu.memory_space<vmem>>) target_semaphore(%run_scoped3A : memref<!tpu.dma_semaphore, #tpu.memory_space<semaphore_mem>>)
      %dma_wait3A = arith.constant 0 : i32
      %dma_wait3A_13 = tpu.memref_slice %arg2[%multiple_of3A, %dma_wait3A] : memref<10240x16xi32, #tpu.memory_space<hbm>> -> memref<320x16xi32, #tpu.memory_space<hbm>>
      %dma_wait3A_14 = arith.constant 0 : i32
      %dma_wait3A_15 = tpu.memref_slice %arg2[%multiple_of3A, %dma_wait3A_14] : memref<10240x16xi32, #tpu.memory_space<hbm>> -> memref<320x16xi32, #tpu.memory_space<hbm>>
      tpu.wait_dma2 semaphore(%run_scoped3A : memref<!tpu.dma_semaphore, #tpu.memory_space<semaphore_mem>>) src(%dma_wait3A_15 : memref<320x16xi32, #tpu.memory_space<hbm>>) dst(%arg10 : memref<320x16xi32, #tpu.memory_space<vmem>>)
      tpu.yield
    }) : () -> ()
    %get3A = arith.constant 0 : index
    %get3A_3 = tpu.vector_load %arg13[%get3A] {strides = array<i32>} : memref<16xf32, #tpu.memory_space<vmem>>, vector<16xf32>,
    %scan3A = arith.constant 0 : i32
    %scan3A_4 = arith.constant 0 : i32
    %scan3A_5 = arith.constant 320 : i32
    %scan3A_6 = arith.addi %scan3A_4, %scan3A_5 : i32
    %scan3A_7 = arith.constant 1 : i32
    %scan3A_8 = scf.for %scan3A_10 = %scan3A_4 to %scan3A_6 step %scan3A_7 iter_args(%scan3A_11 = %scan3A) -> (i32)  : i32 {
      %add3A_12 = arith.addi %multiple_of3A, %scan3A_10 : i32
      %jit3A = arith.constant 16 : i32
      %eq3A = arith.constant 0 : i32
      %eq3A_13 = arith.cmpi eq, %jit3A, %eq3A : i32
      %jit3A_14 = arith.constant 1 : i32
      %select_n3A = arith.select %eq3A_13, %jit3A_14, %jit3A : i32
      %rem3A = arith.remsi %scan3A_10, %select_n3A : i32
      %ne3A = arith.constant 0 : i32
      %ne3A_15 = arith.cmpi ne, %rem3A, %ne3A : i32
      %lt3A = arith.constant 0 : i32
      %lt3A_16 = arith.cmpi slt, %rem3A, %lt3A : i32
      %lt3A_17 = arith.constant 0 : i32
      %lt3A_18 = arith.cmpi slt, %select_n3A, %lt3A_17 : i32
      %ne3A_19 = arith.xori %lt3A_16, %lt3A_18 : i1
      %and3A = arith.andi %ne3A_19, %ne3A_15 : i1
      %add3A_20 = arith.addi %rem3A, %select_n3A : i32
      %select_n3A_21 = arith.select %and3A, %add3A_20, %rem3A : i32
      %get3A_22 = arith.index_cast %scan3A_10 : i32 to index
      %get3A_23 = arith.constant 0 : index
      %get3A_24 = tpu.vector_load %arg10[%get3A_22, %get3A_23] {strides = array<i32>} : memref<320x16xi32, #tpu.memory_space<vmem>>, vector<16xi32>,
      %broadcast_in_dim3A = vector.broadcast %add3A_12 : i32 to vector<16xi32>
      %gather3A = tpu.vector_load_idx %arg8[%get3A_24] : memref<10240xf32, #tpu.memory_space<vmem>>[vector<16xi32>], vector<16xf32>,
      %gather3A_25 = tpu.vector_load_idx %arg9[%get3A_24] : memref<10240xf32, #tpu.memory_space<vmem>>[vector<16xi32>], vector<16xf32>,
      %gather3A_26 = tpu.vector_load_idx %arg8[%broadcast_in_dim3A] : memref<10240xf32, #tpu.memory_space<vmem>>[vector<16xi32>], vector<16xf32>,
      %gather3A_27 = tpu.vector_load_idx %arg9[%broadcast_in_dim3A] : memref<10240xf32, #tpu.memory_space<vmem>>[vector<16xi32>], vector<16xf32>,
      %add3A_28 = arith.addf %gather3A, %gather3A_27 : vector<16xf32>
      %gt3A = arith.constant 0.000000e+00 : f32
      %gt3A_29 = vector.broadcast %gt3A : f32 to vector<16xf32>
      %gt3A_30 = arith.cmpf ogt, %add3A_28, %gt3A_29 : vector<16xf32>
      %mul3A_31 = arith.constant 2.000000e-01 : f32
      %mul3A_32 = vector.broadcast %mul3A_31 : f32 to vector<16xf32>
      %mul3A_33 = arith.mulf %mul3A_32, %add3A_28 : vector<16xf32>
      %select_n3A_34 = arith.select %gt3A_30, %add3A_28, %mul3A_33 : vector<16xi1>, vector<16xf32>
      %sub3A = arith.subf %select_n3A_34, %get3A_3 : vector<16xf32>
      %exp3A = math.exp %sub3A : vector<16xf32>
      %swap3A = arith.index_cast %select_n3A_21 : i32 to index
      %swap3A_35 = arith.constant 0 : index
      %swap3A_36 = tpu.vector_load %arg11[%swap3A, %swap3A_35] {strides = array<i32>} : memref<16x16xf32, #tpu.memory_space<vmem>>, vector<16xf32>,
      tpu.vector_store %arg11[%swap3A, %swap3A_35], %exp3A {strides = array<i32>} : memref<16x16xf32, #tpu.memory_space<vmem>>, vector<16xf32>,
      %add3A_37 = arith.addf %gather3A_26, %gather3A_25 : vector<16xf32>
      %gt3A_38 = arith.constant 0.000000e+00 : f32
      %gt3A_39 = vector.broadcast %gt3A_38 : f32 to vector<16xf32>
      %gt3A_40 = arith.cmpf ogt, %add3A_37, %gt3A_39 : vector<16xf32>
      %mul3A_41 = arith.constant 2.000000e-01 : f32
      %mul3A_42 = vector.broadcast %mul3A_41 : f32 to vector<16xf32>
      %mul3A_43 = arith.mulf %mul3A_42, %add3A_37 : vector<16xf32>
      %select_n3A_44 = arith.select %gt3A_40, %add3A_37, %mul3A_43 : vector<16xi1>, vector<16xf32>
      %sub3A_45 = arith.subf %select_n3A_44, %get3A_3 : vector<16xf32>
      %exp3A_46 = math.exp %sub3A_45 : vector<16xf32>
      %swap3A_47 = arith.index_cast %select_n3A_21 : i32 to index
      %swap3A_48 = arith.constant 0 : index
      %swap3A_49 = tpu.vector_load %arg12[%swap3A_47, %swap3A_48] {strides = array<i32>} : memref<16x16xf32, #tpu.memory_space<vmem>>, vector<16xf32>,
      tpu.vector_store %arg12[%swap3A_47, %swap3A_48], %exp3A_46 {strides = array<i32>} : memref<16x16xf32, #tpu.memory_space<vmem>>, vector<16xf32>,
      %eq3A_50 = arith.constant 15 : i32
      %eq3A_51 = arith.cmpi eq, %select_n3A_21, %eq3A_50 : i32
      %convert_element_type3A = arith.extui %eq3A_51 : i1 to i32
      %cond3A = arith.constant 0 : i32
      %cond3A_52 = arith.cmpi ne, %convert_element_type3A, %cond3A : i32
      scf.if %cond3A_52 {
        %add3A_54 = arith.addi %multiple_of3A, %scan3A_10 : i32
        %sub3A_55 = arith.constant 15 : i32
        %sub3A_56 = arith.subi %add3A_54, %sub3A_55 : i32
        %multiple_of3A_57 = tpu.assume_multiple %sub3A_56, 16 : i32
        "tpu.region"() ({
          %run_scoped3A = tpu.sem_alloc : memref<!tpu.dma_semaphore, #tpu.memory_space<semaphore_mem>>
          %dma_start3A = arith.constant 0 : i32
          %dma_start3A_58 = tpu.memref_slice %arg6[%multiple_of3A_57, %dma_start3A] : memref<10240x16xf32, #tpu.memory_space<hbm>> -> memref<16x16xf32, #tpu.memory_space<hbm>>
          %dma_start3A_59 = arith.constant 0 : i32
          %dma_start3A_60 = tpu.memref_slice %arg6[%multiple_of3A_57, %dma_start3A_59] : memref<10240x16xf32, #tpu.memory_space<hbm>> -> memref<16x16xf32, #tpu.memory_space<hbm>>
          tpu.enqueue_dma source(%arg11 : memref<16x16xf32, #tpu.memory_space<vmem>>) target(%dma_start3A_60 : memref<16x16xf32, #tpu.memory_space<hbm>>) target_semaphore(%run_scoped3A : memref<!tpu.dma_semaphore, #tpu.memory_space<semaphore_mem>>)
          %dma_wait3A = arith.constant 0 : i32
          %dma_wait3A_61 = tpu.memref_slice %arg6[%multiple_of3A_57, %dma_wait3A] : memref<10240x16xf32, #tpu.memory_space<hbm>> -> memref<16x16xf32, #tpu.memory_space<hbm>>
          %dma_wait3A_62 = arith.constant 0 : i32
          %dma_wait3A_63 = tpu.memref_slice %arg6[%multiple_of3A_57, %dma_wait3A_62] : memref<10240x16xf32, #tpu.memory_space<hbm>> -> memref<16x16xf32, #tpu.memory_space<hbm>>
          tpu.wait_dma2 semaphore(%run_scoped3A : memref<!tpu.dma_semaphore, #tpu.memory_space<semaphore_mem>>) src(%arg11 : memref<16x16xf32, #tpu.memory_space<vmem>>) dst(%dma_wait3A_63 : memref<16x16xf32, #tpu.memory_space<hbm>>)
          tpu.yield
        }) : () -> ()
        "tpu.region"() ({
          %run_scoped3A = tpu.sem_alloc : memref<!tpu.dma_semaphore, #tpu.memory_space<semaphore_mem>>
          %dma_start3A = arith.constant 0 : i32
          %dma_start3A_58 = tpu.memref_slice %arg7[%multiple_of3A_57, %dma_start3A] : memref<10240x16xf32, #tpu.memory_space<hbm>> -> memref<16x16xf32, #tpu.memory_space<hbm>>
          %dma_start3A_59 = arith.constant 0 : i32
          %dma_start3A_60 = tpu.memref_slice %arg7[%multiple_of3A_57, %dma_start3A_59] : memref<10240x16xf32, #tpu.memory_space<hbm>> -> memref<16x16xf32, #tpu.memory_space<hbm>>
          tpu.enqueue_dma source(%arg12 : memref<16x16xf32, #tpu.memory_space<vmem>>) target(%dma_start3A_60 : memref<16x16xf32, #tpu.memory_space<hbm>>) target_semaphore(%run_scoped3A : memref<!tpu.dma_semaphore, #tpu.memory_space<semaphore_mem>>)
          %dma_wait3A = arith.constant 0 : i32
          %dma_wait3A_61 = tpu.memref_slice %arg7[%multiple_of3A_57, %dma_wait3A] : memref<10240x16xf32, #tpu.memory_space<hbm>> -> memref<16x16xf32, #tpu.memory_space<hbm>>
          %dma_wait3A_62 = arith.constant 0 : i32
          %dma_wait3A_63 = tpu.memref_slice %arg7[%multiple_of3A_57, %dma_wait3A_62] : memref<10240x16xf32, #tpu.memory_space<hbm>> -> memref<16x16xf32, #tpu.memory_space<hbm>>
          tpu.wait_dma2 semaphore(%run_scoped3A : memref<!tpu.dma_semaphore, #tpu.memory_space<semaphore_mem>>) src(%arg12 : memref<16x16xf32, #tpu.memory_space<vmem>>) dst(%dma_wait3A_63 : memref<16x16xf32, #tpu.memory_space<hbm>>)
          tpu.yield
        }) : () -> ()
      } else {
      }
      %scan3A_53 = arith.constant 0 : i32
      scf.yield %scan3A_53 : i32
    }
    %scan3A_9 = arith.constant 320 : i32
    return
  }
}

</mosaic_0001>

<sc_bundles>
// kernel: _sc_pq.3.cloned.1.call-start
scs
__scs_entry_jumppad:
0x0: {  	(pc) =	sbr.rel $0x88, $3  }
0x1: {  	(tag) =	ssettag $0x0;
	lr =	simm.s32 $0x1  }
0x2: {  	[smem:$0x3F9D] =	sst lr;
	_ =	strace $0xD0000000  }
0x3: {  	_ = 	snop  }
0x4: {  	_ = 	snop  }
0x5: {  	_ = 	snop  }
0x6: {  	_ = 	snop  }
0x7: {  	_ = 	snop  }
__scs_overlays_trampoline_lowered:
0x8: {  	[smem:$0x3FAC] =	sst s0  }
0x9: {  	[smem:$0x3FAD] =	sst s1  }
0xa: {  	[smem:$0x3FAE] =	sst s2  }
0xb: {  	[smem:$0x3FAF] =	sst s3  }
0xc: {  	[smem:$0x3FB0] =	sst s4  }
0xd: {  	[smem:$0x3FB1] =	sst s5  }
0xe: {  	[smem:$0x3FB2] =	sst s6  }
0xf: {  	[smem:$0x3FB3] =	sst s7  }
0x10: {  	[smem:$0x3FB4] =	sst s8  }
0x11: {  	[smem:$0x3FB5] =	sst s9;
	s0 =	simm.s32 @!p0 $0x0  }
0x12: {  	s1 =	sld [smem:$0x3F9B];
	s0 =	simm.s32 @p0 $0x1  }
0x13: {  	[smem:$0x3FB6] =	sst s0;
	s0 =	simm.s32 @!p1 $0x0  }
0x14: {  	s2 =	sld [smem:$0x3F9A];
	s0 =	simm.s32 @p1 $0x1  }
0x15: {  	[smem:$0x3FB7] =	sst s0;
	s0 =	simm.s32 @!p2 $0x0  }
0x16: {  	s3 =	sld [smem:$0x3FDB];
	s0 =	simm.s32 @p2 $0x1  }
0x17: {  	s4 =	simm.s32 $0x1BF5;
	[smem:$0x3FB9] =	sst s0  }
0x18: {  	s0 =	sld [smem:$0x3F9C];
	_ =	swait.ge [sflag:s4], $0x0  }
0x19: {  	s7 =	sld [smem:$0x3F9D]  }
0x1a: {  	s8 =	sadd.s32 $0xFFFFE003, lr  }
0x1b: {  	s9 =	sadd.s32 $0xFFFFFEF7, lr;
	s5 =	simm.s32 $0xFFFFFFFF;
	p2 =	slt.u32 s8, $0xFFFFF086  }
0x1c: {  	p1 =	slt.u32 s9, $0xF7A;
	s5 =	simm.s32 @!p2 $0x0  }
0x1d: {  	s5 =	simm.s32 @p1 $0x1;
	p0 =	seq.s32 s7, s2  }
0x1e: {  	s7 =	smul.u32 @!p0 $0xF7A, s2;
	p2 =	seq.s32 @!p0 s5, $0x0  }
0x1f: {  	s9 =	smul.u32 $0xF7A, s1;
	s8 =	simm.s32 @!p0 $0x1BF5;
	p2 =	por !p2, p0  }
0x20: {  	[sflag:s8] =	ssyncset.s32 @!p0 $0xFFFFF086;
	s6 =	sadd.s32 @!p0 s3, s7;
	s7 =	simm.s32 @!p0 $0x108  }
0x21: {  	s3 =	sadd.s32 s3, s9;
	s6 =	sadd.s32 @!p0 $0x88, s6;
	s7 =	simm.s32 @p2 $0x1082  }
0x22: {  	[simem:s7], [sflag:s8] =	dma.local @!p0 [hbm:s6], $0xF7A  }
0x23: {  	s9 =	sor.u32 $0xD0000000, s2;
	s6 =	simm.s32 $0x108;
	_ =	swait.ge @!p0 [sflag:s8], $0x0  }
0x24: {  	s3 =	sadd.s32 $0x88, s3;
	s6 =	simm.s32 @!p1 $0x1082;
	[sflag:s4] =	ssyncset.s32 $0xFFFFF086  }
0x25: {  	[simem:s6], [sflag:s4] =	dma.local [hbm:s3], $0xF7A  }
0x26: {  	[smem:$0x3F9D] =	sst s1;
	(tag) =	ssettag s2;
	_ =	strace s9  }
0x27: {  	s1 =	sld [smem:$0x3FAD]  }
0x28: {  	s2 =	sld [smem:$0x3FAE]  }
0x29: {  	s4 =	sld [smem:$0x3FB0]  }
0x2a: {  	p0 =	seq.s32 s5, $0x0;
	s5 =	sld [smem:$0x3FB1]  }
0x2b: {  	s6 =	sld [smem:$0x3FB2]  }
0x2c: {  	s7 =	sld [smem:$0x3FB3]  }
0x2d: {  	s3 =	simm.s32 $0x108;
	s8 =	sld [smem:$0x3FB4]  }
0x2e: {  	s3 =	simm.s32 @!p0 $0x1082;
	s9 =	sld [smem:$0x3FB5]  }
0x2f: {  	lr =	sadd.s32 s0, s3;
	s0 =	sld [smem:$0x3FAC]  }
0x30: {  	s3 =	sld [smem:$0x3FAF]  }
0x31: {  	[smem:$0x3FB8] =	sst s10  }
0x32: {  	s10 =	sld [smem:$0x3FB6];
	_ =	sdelay $0x3  }
0x33: {  	p0 =	seq.s32 s10, $0x1;
	s10 =	sld [smem:$0x3FB8];
	_ =	sdelay $0x3  }
0x34: {  	[smem:$0x3FB8] =	sst s10  }
0x35: {  	s10 =	sld [smem:$0x3FB7];
	_ =	sdelay $0x3  }
0x36: {  	p1 =	seq.s32 s10, $0x1;
	s10 =	sld [smem:$0x3FB8];
	_ =	sdelay $0x3  }
0x37: {  	[smem:$0x3FB8] =	sst s10  }
0x38: {  	s10 =	sld [smem:$0x3FB9]  }
0x39: {  	_ = 	snop;
	(pc) =	sbr.ind lr, $3  }
0x3a: {  	_ = 	snop  }
0x3b: {  	_ = 	snop  }
0x3c: {  	p2 =	seq.s32 s10, $0x1;
	s10 =	sld [smem:$0x3FB8]  }
0x3d: {  	_ =	shalt  }
0x3e: {  	_ =	shalt  }
0x3f: {  	_ =	shalt  }
0x40: {  	_ =	shalt  }
0x41: {  	_ =	shalt  }
0x42: {  	_ =	shalt  }
0x43: {  	_ =	shalt  }
0x44: {  	_ =	shalt  }
0x45: {  	_ =	shalt  }
0x46: {  	_ =	shalt  }
0x47: {  	_ =	shalt  }
0x48: {  	_ =	shalt  }
0x49: {  	_ =	shalt  }
0x4a: {  	_ =	shalt  }
0x4b: {  	_ =	shalt  }
0x4c: {  	_ =	shalt  }
0x4d: {  	_ =	shalt  }
0x4e: {  	_ =	shalt  }
0x4f: {  	_ =	shalt  }
0x50: {  	_ =	shalt  }
0x51: {  	_ =	shalt  }
0x52: {  	_ =	shalt  }
0x53: {  	_ =	shalt  }
0x54: {  	_ =	shalt  }
0x55: {  	_ =	shalt  }
0x56: {  	_ =	shalt  }
0x57: {  	_ =	shalt  }
0x58: {  	_ =	shalt  }
0x59: {  	_ =	shalt  }
0x5a: {  	_ =	shalt  }
0x5b: {  	_ =	shalt  }
0x5c: {  	_ =	shalt  }
0x5d: {  	_ =	shalt  }
0x5e: {  	_ =	shalt  }
0x5f: {  	_ =	shalt  }
0x60: {  	_ =	shalt  }
0x61: {  	_ =	shalt  }
0x62: {  	_ =	shalt  }
0x63: {  	_ =	shalt  }
0x64: {  	_ =	shalt  }
0x65: {  	_ =	shalt  }
0x66: {  	_ =	shalt  }
0x67: {  	_ =	shalt  }
0x68: {  	_ =	shalt  }
0x69: {  	_ =	shalt  }
0x6a: {  	_ =	shalt  }
0x6b: {  	_ =	shalt  }
0x6c: {  	_ =	shalt  }
0x6d: {  	_ =	shalt  }
0x6e: {  	_ =	shalt  }
0x6f: {  	_ =	shalt  }
0x70: {  	_ =	shalt  }
0x71: {  	_ =	shalt  }
0x72: {  	_ =	shalt  }
0x73: {  	_ =	shalt  }
0x74: {  	_ =	shalt  }
0x75: {  	_ =	shalt  }
0x76: {  	_ =	shalt  }
0x77: {  	_ =	shalt  }
0x78: {  	_ =	shalt  }
0x79: {  	_ =	shalt  }
0x7a: {  	_ =	shalt  }
0x7b: {  	_ =	shalt  }
0x7c: {  	_ =	shalt  }
0x7d: {  	_ =	shalt  }
0x7e: {  	_ =	shalt  }
0x7f: {  	_ =	shalt  }
0x80: {  	_ =	shalt  }
0x81: {  	_ =	shalt  }
0x82: {  	_ =	shalt  }
0x83: {  	_ =	shalt  }
0x84: {  	_ =	shalt  }
0x85: {  	_ =	shalt  }
0x86: {  	_ =	shalt  }
0x87: {  	_ =	shalt  }
.Lfunc_end0:
.L_simem_size_0:
called_computation_lowered:
.L_overlay_start_0:
0x88: {  	s2 =	sld [smem:$0x3FD9]  }
0x89: {  	s3 =	sld [smem:$0x3FFE];
	_ =	sdelay $0x1  }
0x8a: {  	s1 =	srdreg.scid  }
0x8b: {  	s0 =	sand.u32 $0x1, s1  }
0x8c: {  	s14 =	sshll.u32 s0, $0xA;
	s2 =	sadd.s32 s3, s2  }
0x8d: {  	s2 =	sadd.s32 s2, s14  }
0x8e: {  	[smem:$0x3FC4] =	sst s2  }
0x8f: {  	_ = 	snop  }
0x90: {  	s2 =	sld [smem:$0x3FD0]  }
0x91: {  	s15 =	sld [smem:$0x3FC8]  }
0x92: {  	s4 =	sld [smem:$0x3FC7]  }
0x93: {  	s6 =	simm.s32 $0xA;
	s7 =	simm.s32 $0x10;
	s5 =	sld [smem:$0x3FC6]  }
0x94: {  	[smem:s7], [sflag:s6] =	dma.local [hbm:s2], $0x1  }
0x95: {  	_ =	swait.eq [sflag:s6], $0x1  }
0x96: {  	[sflag:s6] =	ssyncset.done $0x0  }
0x97: {  	s16 =	sld [smem:$0x10];
	[sflag:s6] =	ssyncadd.s32 $0xFFFFFFFF  }
0x98: {  	s17 =	sld [smem:$0x11];
	(tm) =	ssettm $0x1  }
0x99: {  	s18 =	sld [smem:$0x3FFB];
	_ =	sdelay $0x3  }
0x9a: {  	_ =	strace s18  }
0x9b: {  	s7 =	sld [smem:$0x3FFC];
	_ =	sdelay $0x3  }
0x9c: {  	_ =	strace s7  }
0x9d: {  	s7 =	sld [smem:$0x3FFD];
	_ =	sdelay $0x3  }
0x9e: {  	_ =	strace s7  }
0x9f: {  	_ =	strace $0x8FFFFFFF  }
0xa0: {  	s19 =	sld [smem:$0x3FDB];
	_ =	sdelay $0x1  }
0xa1: {  	s8 =	simm.s32 $_scs_section_size  }
0xa2: {  	s9 =	simm.s32 $_size__tile_overlayer_lowered;
	s10 =	simm.s32 $_tile_overlayer_lowered  }
0xa3: {  	s22 =	simm.s32 $0x1BFF;
	s21 =	sshll.u32 s10, $0x1;
	s7 =	sadd.s32 s8, s19  }
0xa4: {  	s11 =	simm.s32 $0x0;
	s20 =	sshll.u32 s9, $0x1;
	s9 =	sadd.s32 s21, s7  }
0xa5: {  	[timem:s11], [sflag:s22] =	dma.local [hbm:s9], s20  }
0xa6: {  	_ =	swait.ge [sflag:s22], s20  }
0xa7: {  	s8 =	ssub.s32 $0x0, s20;
	[sflag:s22] =	ssyncset.done $0x0  }
0xa8: {  	[sflag:s22] =	ssyncadd.s32 s8;
	_ =	sdelay $0x1  }
0xa9: {  	s23 =	simm.s32 $0x1B8B  }
0xaa: {  	_ =	swait.ge [sflag:s23], $0x1  }
0xab: {  	[sflag:s23] =	ssyncset.done $0x0  }
0xac: {  	s25 =	simm.s32 $0x1B8E;
	s24 =	sld [smem:$0x3FFE];
	[sflag:s23] =	ssyncadd.s32 $0xFFFFFFFF  }
0xad: {  	s26 =	simm.s32 $execute0_lowered;
	[smem:$0x3FD2] =	sst s25  }
0xae: {  	s9 =	sshll.u32 s26, $0x1;
	_ =	strace $0x80000046;
	[dreg:$0x1] =	wrdreg $0xFFFFFFFF  }
0xaf: {  	s28 =	simm.s32 $_size_execute0_lowered;
	s7 =	sadd.s32 s7, s9;
	[dreg:$0x0] =	wrdreg $0x0  }
0xb0: {  	s9 =	sshll.u32 s28, $0x1;
	[dreg:$0x2] =	wrdreg s7  }
0xb1: {  	[dreg:$0x3] =	wrdreg s9  }
0xb2: {  	[dreg:$0x4] =	wrdreg $0xC0  }
0xb3: {  	_ =	task [dreg:s11], $0x5FFFF  }
0xb4: {  	[dreg:$0x1] =	wrdreg $0xFFFFFFFF  }
0xb5: {  	[dreg:$0x0] =	wrdreg $0x60  }
0xb6: {  	[dreg:$0x2] =	wrdreg s17  }
0xb7: {  	[dreg:$0x3] =	wrdreg s15  }
0xb8: {  	[dreg:$0x4] =	wrdreg s4  }
0xb9: {  	[dreg:$0x5] =	wrdreg s5  }
0xba: {  	[dreg:$0x6] =	wrdreg s16  }
0xbb: {  	[dreg:$0x7] =	wrdreg s24  }
0xbc: {  	[dreg:$0x8] =	wrdreg $0x9  }
0xbd: {  	_ =	task.clear_ibuf [dreg:s11], $0x9FFFF;
	_ =	strace $0x90000046  }
0xbe: {  	s29 =	simm.s32 $0x9;
	_ =	strace $0x80000048  }
0xbf: {  	_ =	swait.ge [sflag:s29], $0x1  }
0xc0: {  	[sflag:s29] =	ssyncadd.s32 $0xFFFFFFFF  }
0xc1: {  	_ =	strace $0x90000048  }
0xc2: {  	_ =	sfence  }
0xc3: {  	s30 =	sld [smem:$0x0];
	_ =	sdelay $0x2  }
0xc4: {  	s31 =	sshll.u32 s1, $0xD;
	s1 =	sshrl.u32 s1, $0x2  }
0xc5: {  	s3 =	sand.u32 $0x4000, s31;
	s1 =	sadd.s32 s1, s30  }
0xc6: {  	s0 =	sor.u32 s3, s0;
	s1 =	sshll.u32 s1, $0x11  }
0xc7: {  	s0 =	sor.u32 s1, s0  }
0xc8: {  	s0 =	sadd.s32 $0x8F2B, s0  }
0xc9: {  	[sflag:s0] =	ssyncadd.remote.s32 $0x1  }
0xca: {  	_ =	sfence.sel $0xFFFF  }
0xcb: {  	[dreg:$0x0] =	wrdreg $0xFFFFFFFF;
	(pc) =	sbr.abs _section_cstart, $3  }
0xcc: {  	[dreg:$0x1] =	wrdreg $0xFFFFFFFF  }
0xcd: {  	_ =	task.clear_ibuf [dreg:s11], $0x2FFFF;
	_ =	strace $0x9FFFFFFF  }
0xce: {  	(tm) =	ssettm $0x7FFFFFFF  }
0xcf: {  	_ =	shalt  }
tec
execute0_lowered:
.L_overlay_start_1:
0x0: {  	(tag) =	ssettag $0x1  }
0x1: {  	s8 =	rddreg [dreg:$0x0]  }
0x2: {  	s0 =	rddreg [dreg:$0x1]  }
0x3: {  	s2 =	rddreg [dreg:$0x2]  }
0x4: {  	s1 =	srdreg.scid;
	s3 =	rddreg [dreg:$0x3]  }
0x5: {  	s5 =	rddreg [dreg:$0x4];
	s7 =	sand.u32 $0x1, s1  }
0x6: {  	s1 =	stileid.u32;
	s11 =	smul.u32 $0x14000, s7  }
0x7: {  	s9 =	rddreg [dreg:$0x5];
	s6 =	simm.s32 $0x0;
	s13 =	smul.u32 $0x1400, s1  }
0x8: {  	[smem:$0x7FF] =	sst s6;
	s4 =	sshll.u32 s7, $0x4;
	s15 =	smul.u32 $0x1400, s7  }
0x9: {  	s12 =	ssub.s32 $0x2, s7;
	s30 =	smul.u32 $0x140, s1;
	s4 =	sor.u32 s1, s4  }
0xa: {  	s7 =	sadd.s32 $0xA00, s9;
	s14 =	sshrl.u32 s12, $0x1;
	s10 =	smul.u32 $0x280, s4  }
0xb: {  	s4 =	rddreg [dreg:$0x6];
	_ =	strace $0x80000047;
	s29 =	ssub.s32 s12, s14  }
0xc: {  	s31 =	sadd.s32 s13, s11;
	s11 =	sadd.s32 s30, s15;
	s12 =	simm.s32 $0x1  }
0xd: {  	s13 =	simm.s32 $0x2800;
	s14 =	simm.s32 $0x6600;
	s15 =	simm.s32 $0x0  }
0xe: {  	s9 =	smax.u32 s29, $0x1;
	s8 =	sadd.s32 s8, s10;
	s10 =	sadd.s32 $0xFFFFFF10, s31  }
.LBB2_1:
0xf: {  	[tilespmem:s6], [sflag:$0x1] =	stream.linear.gather [hbm4b:s0+s6], $0x2800, $0x38;
	[tilespmem:$0x6610] =	vst v63  }
0x10: {  	_ =	swait.ge [sflag:s12], $0x2800  }
0x11: {  	[sflag:s12] =	ssyncset.done $0x0  }
0x12: {  	[sflag:s12] =	ssyncadd.s32 $0xFFFFD800  }
0x13: {  	[tilespmem:s13], [sflag:$0x1] =	stream.linear.gather [hbm4b:s2+s6], $0x2800, $0x38;
	[tilespmem:$0x6610] =	vst v63  }
0x14: {  	_ =	swait.ge [sflag:s12], $0x2800  }
0x15: {  	[sflag:s12] =	ssyncset.done $0x0  }
0x16: {  	[sflag:s12] =	ssyncadd.s32 $0xFFFFD800  }
0x17: {  	[tilespmem:s14], [sflag:$0x1] =	stream.linear.gather [hbm4b:s3+s6], $0x10, $0x38;
	[tilespmem:$0x6610] =	vst v63  }
0x18: {  	_ =	swait.ge [sflag:s12], $0x10  }
0x19: {  	[sflag:s12] =	ssyncset.done $0x0  }
0x1a: {  	s16 =	simm.s32 $0x5000;
	[sflag:s12] =	ssyncadd.s32 $0xFFFFFFF0  }
0x1b: {  	[tilespmem:s16], [sflag:$0x1] =	stream.linear.gather [hbm4b:s8+s6], $0x1400, $0x38;
	[tilespmem:$0x6610] =	vst v63  }
0x1c: {  	_ =	swait.ge [sflag:s12], $0x1400  }
0x1d: {  	[sflag:s12] =	ssyncset.done $0x0  }
0x1e: {  	[sflag:s12] =	ssyncadd.s32 $0xFFFFEC00  }
0x1f: {  	s17 =	sadd.s32 $0x0, s11;
	v0 =	vld [tilespmem:s16+$0x0]  }
0x20: {  	v1 =	vmov s17;
	_ =	sdelay $0x4  }
0x21: {  	v2 =	vld.idx.msk [tilespmem:v1+s13+$0x0], $0xffff  }
0x22: {  	v1 =	vld.idx.msk [tilespmem:v1+s6+$0x0], $0xffff  }
0x23: {  	v3 =	vld.idx.msk [tilespmem:v0+s6+$0x0], $0xffff  }
0x24: {  	v4 =	vld.idx.msk [tilespmem:v0+s13+$0x0], $0xffff;
	_ =	sdelay $0x3  }
0x25: {  	v0 =	vld [tilespmem:$0x6600];
	v2 =	vadd.f32 v2, v3  }
0x26: {  	v1 =	vadd.f32 v1, v4  }
0x27: {  	v3 =	vmul.f32 $2.000000030e-01, v2  }
0x28: {  	vm0 =	vgt.f32 v2, $0.0e+00;
	v4 =	vmul.f32 $2.000000030e-01, v1  }
0x29: {  	vm1 =	vgt.f32 v1, $0.0e+00;
	v2 =	vsel vm0, v2, v3  }
0x2a: {  	v1 =	vsel vm1, v1, v4;
	v2 =	vsub.f32 v2, v0  }
0x2b: {  	v1 =	vsub.f32 v1, v0  }
0x2c: {  	v2 =	vmul.f32 $1.442695020e+00, v2  }
0x2d: {  	v1 =	vmul.f32 $1.442695020e+00, v1  }
0x2e: {  	(erf) = vpow2.f32 v2  }
0x2f: {  	(erf) = vpow2.f32 v1;
	_ =	sdelay $0x6  }
0x30: {  	s31 =	sand.u32 $0xF, s6  }
0x31: {  	p1 =	sne.s32 s31, $0xF;
	s16 =	sshll.u32 s31, $0x4;
	v1 =	vpop (erf)  }
0x32: {  	s17 =	sshrl.u32 @!p1 s10, $0x3;
	s19 =	simm.s32 @!p1 $0x0;
	[tilespmem:s16+$0x6400] =	vst v1;
	v1 =	vpop (erf)  }
0x33: {  	s20 =	simm.s32 @!p1 $0x6400;
	s21 =	simm.s32 @!p1 $0x2;
	s18 =	sadd.s32 @!p1 s5, s17;
	[tilespmem:s16+$0x6500] =	vst v1  }
0x34: {  	[hbm4b:s18+s19] =	stream.linear.scatter @!p1 [tilespmem:s20], [sflag:$0x2], $0x100, $0x38;
	[tilespmem:$0x6610] =	vst v63  }
0x35: {  	s22 =	simm.s32 @!p1 $0x6500;
	s16 =	simm.s32 $0x1;
	_ =	swait.ge @!p1 [sflag:s21], $0x100  }
0x36: {  	s20 =	sadd.s32 @!p1 s7, s17;
	s17 =	sadd.s32 $0x10, s10;
	[sflag:s21] =	ssyncset.done @!p1 $0x0  }
0x37: {  	s18 =	simm.s32 $0x5010;
	[sflag:s21] =	ssyncadd.s32 @!p1 $0xFFFFFF00;
	s21 =	simm.s32 @!p1 $0x1  }
.LBB2_2:
0x38: {  	[hbm4b:s20+s19] =	stream.linear.scatter @!p1 [tilespmem:s22], [sflag:$0x1], $0x100, $0x38;
	[tilespmem:$0x6610] =	vst v63  }
0x39: {  	s19 =	smov.u32 s16;
	s16 =	sadd.s32 $0x1, s16;
	_ =	swait.ge @!p1 [sflag:s21], $0x100  }
0x3a: {  	p0 =	sne.s32 s16, $0x140;
	[sflag:s21] =	ssyncset.done @!p1 $0x0  }
0x3b: {  	[sflag:s21] =	ssyncadd.s32 @!p1 $0xFFFFFF00;
	_ =	sdelay $0x1  }
0x3c: {  	s20 =	sadd.s32 s19, s11;
	v1 =	vld [tilespmem:s18+$0x0]  }
0x3d: {  	v2 =	vmov s20;
	_ =	sdelay $0x4  }
0x3e: {  	v3 =	vld.idx.msk [tilespmem:v2+s13+$0x0], $0xffff  }
0x3f: {  	v2 =	vld.idx.msk [tilespmem:v2+s6+$0x0], $0xffff  }
0x40: {  	v4 =	vld.idx.msk [tilespmem:v1+s6+$0x0], $0xffff  }
0x41: {  	v1 =	vld.idx.msk [tilespmem:v1+s13+$0x0], $0xffff;
	_ =	sdelay $0x4  }
0x42: {  	v3 =	vadd.f32 v3, v4  }
0x43: {  	v1 =	vadd.f32 v2, v1  }
0x44: {  	v2 =	vmul.f32 $2.000000030e-01, v3  }
0x45: {  	vm0 =	vgt.f32 v3, $0.0e+00;
	vm1 =	vgt.f32 v1, $0.0e+00;
	v4 =	vmul.f32 $2.000000030e-01, v1  }
0x46: {  	v2 =	vsel vm0, v3, v2  }
0x47: {  	v2 =	vsub.f32 v2, v0;
	v1 =	vsel vm1, v1, v4  }
0x48: {  	v1 =	vsub.f32 v1, v0  }
0x49: {  	v2 =	vmul.f32 $1.442695020e+00, v2  }
0x4a: {  	v1 =	vmul.f32 $1.442695020e+00, v1  }
0x4b: {  	(erf) = vpow2.f32 v2  }
0x4c: {  	(erf) = vpow2.f32 v1;
	_ =	sdelay $0x5  }
0x4d: {  	s19 =	sand.u32 $0xF, s19  }
0x4e: {  	p1 =	sne.s32 s19, $0xF  }
0x4f: {  	s20 =	sshll.u32 s19, $0x4;
	s21 =	sshrl.u32 @!p1 s17, $0x3;
	v1 =	vpop (erf)  }
0x50: {  	s19 =	simm.s32 @!p1 $0x0;
	s23 =	simm.s32 @!p1 $0x6400;
	s22 =	sadd.s32 @!p1 s5, s21;
	[tilespmem:s20+$0x6400] =	vst v1;
	v1 =	vpop (erf)  }
.Ltmp0:
0x51: {  	s24 =	simm.s32 @!p1 $0x2;
	[tilespmem:s20+$0x6500] =	vst v1;
	s20 =	sadd.s32 @!p1 s7, s21;
	(pc) =	sbr.rel @p0 .LBB2_2-.Ltmp0, $4  }
0x52: {  	[hbm4b:s22+s19] =	stream.linear.scatter @!p1 [tilespmem:s23], [sflag:$0x2], $0x100, $0x38;
	[tilespmem:$0x6610] =	vst v63  }
0x53: {  	_ =	swait.ge @!p1 [sflag:s24], $0x100  }
0x54: {  	s17 =	sadd.s32 $0x10, s17;
	s22 =	simm.s32 @!p1 $0x6500;
	[sflag:s24] =	ssyncset.done @!p1 $0x0  }
0x55: {  	s18 =	sadd.s32 $0x10, s18;
	s21 =	simm.s32 @!p1 $0x1;
	[sflag:s24] =	ssyncadd.s32 @!p1 $0xFFFFFF00  }
0x56: {  	s15 =	sadd.s32 $0x1, s15  }
0x57: {  	p0 =	sne.s32 s15, s9  }
.Ltmp1:
0x58: {  	_ = 	snop;
	(pc) =	sbr.rel @p0 .LBB2_1-.Ltmp1, $4  }
0x59: {  	[hbm4b:s20+s19] =	stream.linear.scatter @!p1 [tilespmem:s22], [sflag:$0x1], $0x100, $0x38;
	[tilespmem:$0x6610] =	vst v63  }
0x5a: {  	_ =	swait.ge @!p1 [sflag:s21], $0x100  }
0x5b: {  	[sflag:s21] =	ssyncset.done @!p1 $0x0  }
0x5c: {  	[sflag:s21] =	ssyncadd.s32 @!p1 $0xFFFFFF00  }
0x5d: {  	_ =	sfence.sel $0x180000  }
0x5e: {  	[bflag:$0x0] =	sbarrier.arrive $0xFFFF  }
0x5f: {  	p0 =	sne.s32 s1, $0x0;
	_ =	strace $0x90000047  }
0x60: {  	s0 =	sadd.s32 @!p0 $0x100000, s4;
	[bflag:$0x2] =	sbarrier.arrive $0xFFFF  }
0x61: {  	[sflag:s0] =	ssyncadd.tile.s32 @!p0 $0x1;
	_ =	shalt  }
.Lfunc_end2:
_tile_overlayer_lowered:
.L_overlay_start_2:
0x62: {  	(tag) =	ssettag $0x2  }
0x63: {  	s0 =	rddreg [dreg:$0x0];
	s2 =	stileid.u32  }
0x64: {  	s1 =	rddreg [dreg:$0x1];
	p0 =	sne.s32 s2, $0x0  }
0x65: {  	s3 =	rddreg [dreg:$0x2];
	[bflag:$0x3] =	sbarrier.arrive $0xFFFF;
	s2 =	simm.s32 @!p0 $0x1C01  }
0x66: {  	[timem:s3], [sflag:s2] =	dma.local @!p0 [hbm:s0], s1  }
0x67: {  	s0 =	simm.s32 @!p0 $0x1  }
0x68: {  	_ =	swait.ge @!p0 [sflag:s0], s1  }
0x69: {  	s1 =	ssub.s32 @!p0 $0x0, s1;
	[sflag:s0] =	ssyncset.done @!p0 $0x0  }
0x6a: {  	[sflag:s0] =	ssyncadd.s32 @!p0 s1  }
0x6b: {  	[bflag:$0x3] =	sbarrier.arrive $0xFFFF  }
0x6c: {  	_ =	shalt  }

</sc_bundles>
